<compile_context>
chip_gen: v7x
topology: tpu7x:2x2x1
jax: 0.10.2.dev20260603
libtpu: 0.0.44.dev20260713+nightly
codegen_flags: <defaults>
</compile_context>

<pallas_src>
import functools

import jax
import jax.numpy as jnp
from jax import lax
from jax.experimental import pallas as pl
from jax.experimental.pallas import tpu as pltpu
from jax.experimental.pallas import tpu_sc as plsc


H = 256
BLK_A = 1024
BLK_C = 1024


def _encoder_body(x_ref, w1_ref, b1_ref, w2_ref, b2_ref, ws_ref,
                  feat_ref, s_ref):
    x = x_ref[...]
    h = jnp.dot(x, w1_ref[...], preferred_element_type=jnp.float32)
    h = jnp.maximum(h + b1_ref[...][None, :], 0.0)
    h2 = jnp.dot(h, w2_ref[...], preferred_element_type=jnp.float32)
    h2 = jnp.maximum(h2 + b2_ref[...][None, :], 0.0)
    feat_ref[...] = h2
    s_ref[...] = jnp.dot(h2, ws_ref[...], preferred_element_type=jnp.float32)


def _point_encoder(flat_pts, W1, b1, W2, b2, WsT):
    n = flat_pts.shape[0]
    grid = n // BLK_A
    return pl.pallas_call(
        _encoder_body,
        grid=(grid,),
        in_specs=[
            pl.BlockSpec((BLK_A, 4), lambda i: (i, 0)),
            pl.BlockSpec((4, H), lambda i: (0, 0)),
            pl.BlockSpec((H,), lambda i: (0,)),
            pl.BlockSpec((H, H), lambda i: (0, 0)),
            pl.BlockSpec((H,), lambda i: (0,)),
            pl.BlockSpec((H, 1), lambda i: (0, 0)),
        ],
        out_specs=[
            pl.BlockSpec((BLK_A, H), lambda i: (i, 0)),
            pl.BlockSpec((BLK_A, 1), lambda i: (i, 0)),
        ],
        out_shape=[
            jax.ShapeDtypeStruct((n, H), jnp.float32),
            jax.ShapeDtypeStruct((n, 1), jnp.float32),
        ],
    )(flat_pts, W1, b1, W2, b2, WsT)


def _output_body(f_ref, w_ref, wp1_ref, bp1_ref, wp2_ref, out_ref):
    f = f_ref[...] * w_ref[...][:, None]
    h = jnp.dot(f, wp1_ref[...], preferred_element_type=jnp.float32)
    h = jnp.maximum(h + bp1_ref[...][None, :], 0.0)
    out_ref[...] = jnp.dot(h, wp2_ref[...], preferred_element_type=jnp.float32)


def _output_mlp(feat_sel, w_sel, Wp1, bp1, Wp2p):
    g = feat_sel.shape[0]
    grid = g // BLK_C
    return pl.pallas_call(
        _output_body,
        grid=(grid,),
        in_specs=[
            pl.BlockSpec((BLK_C, H), lambda i: (i, 0)),
            pl.BlockSpec((BLK_C,), lambda i: (i,)),
            pl.BlockSpec((H, H), lambda i: (0, 0)),
            pl.BlockSpec((H,), lambda i: (0,)),
            pl.BlockSpec((H, 128), lambda i: (0, 0)),
        ],
        out_specs=pl.BlockSpec((BLK_C, 128), lambda i: (i, 0)),
        out_shape=jax.ShapeDtypeStruct((g, 128), jnp.float32),
    )(feat_sel, w_sel, Wp1, bp1, Wp2p)


def _sc_gather(table, idx):
    g = idx.shape[0]
    d = table.shape[1]
    nw = 32
    ch = 128
    b_per_w = g // nw
    mesh = plsc.VectorSubcoreMesh(core_axis_name="c", subcore_axis_name="s")

    @functools.partial(
        pl.kernel, mesh=mesh,
        out_type=jax.ShapeDtypeStruct((g, d), jnp.float32),
        scratch_types=[
            pltpu.VMEM((ch,), jnp.int32),
            pltpu.VMEM((ch, d), jnp.float32),
            pltpu.SemaphoreType.DMA,
        ],
    )
    def gk(table_hbm, idx_hbm, out_hbm, idx_v, rows_v, sem):
        wid = lax.axis_index("s") * 2 + lax.axis_index("c")
        base = wid * b_per_w

        def body(j, carry):
            off = base + j * ch
            pltpu.sync_copy(idx_hbm.at[pl.ds(off, ch)], idx_v)
            pltpu.async_copy(table_hbm.at[idx_v], rows_v, sem).wait()
            pltpu.sync_copy(rows_v, out_hbm.at[pl.ds(off, ch)])
            return carry

        lax.fori_loop(0, b_per_w // ch, body, 0)

    return gk(table, idx)


def kernel(flat_pts, batch_idx, W1, b1, W2, b2, Ws, bs, bn_gamma, bn_beta,
           Wp1, bp1, Wp2, bp2):
    output_size = 4096
    n = flat_pts.shape[0]
    batch_size = 8
    k = min(output_size, n // batch_size)

    feat, s = _point_encoder(flat_pts, W1, b1, W2, b2, Ws)
    s = s[:, 0] + bs[0]

    mu = jnp.mean(s)
    var = jnp.var(s)
    shat = (s - mu) / jnp.sqrt(var + 1e-5) * bn_gamma[0] + bn_beta[0]
    score = jnp.maximum(shat, 0.0)
    x = score / 0.1
    weights = jnp.exp(x - jnp.max(x))
    weights = weights / jnp.sum(weights)

    M = 16384
    starts = jnp.searchsorted(batch_idx, jnp.arange(batch_size + 1),
                              side='left').astype(jnp.int32)
    wpad = jnp.concatenate([weights, jnp.full((M,), -jnp.inf, jnp.float32)])
    wsl = jax.vmap(lambda st: lax.dynamic_slice(wpad, (st,), (M,)))(
        starts[:batch_size])
    pos = starts[:batch_size, None] + jnp.arange(M)[None, :]
    masked = jnp.where(pos < starts[1:, None], wsl, -jnp.inf)
    topw, local_idx = lax.top_k(masked, k)
    topk_indices = local_idx + starts[:batch_size, None]
    flat_idx = topk_indices.reshape(-1)

    batch_sums = jnp.sum(topw, axis=1)
    w_norm = (topw / (batch_sums[:, None] + 1e-8)).reshape(-1)

    feat_sel = _sc_gather(feat, flat_idx)
    Wp2p = jnp.pad(Wp2, ((0, 0), (0, 128 - Wp2.shape[1])))
    out = _output_mlp(feat_sel, w_norm, Wp1, bp1, Wp2p)
    out = out[:, :4] + bp2[None, :]
    return out.reshape(batch_size, output_size, 4)

# --- scband reference (transcript-rebuilt; emitter-appended) ---
"""Pipeline reference for scband-point-encoder2-28656021799039 (READ-ONLY COPY).

The authoritative reference and input builder live on the scoring server;
editing this copy changes nothing except your own understanding.
"""

import jax, jax.numpy as jnp
import numpy as np


def setup_inputs(seed: int = 0) -> dict:
    key = jax.random.key(seed)
    ks = jax.random.split(key, 14)
    N = 65536
    B = 8
    in_dim = 4
    H = 256
    flat_pts = jax.random.normal(ks[0], (N, in_dim), dtype=jnp.float32)
    batch_idx = jnp.sort(jax.random.randint(ks[1], (N,), 0, B))
    W1 = jax.random.normal(ks[2], (in_dim, H), dtype=jnp.float32) * 0.05
    b1 = jnp.zeros((H,), dtype=jnp.float32)
    W2 = jax.random.normal(ks[3], (H, H), dtype=jnp.float32) * 0.05
    b2 = jnp.zeros((H,), dtype=jnp.float32)
    Ws = jax.random.normal(ks[4], (H, 1), dtype=jnp.float32) * 0.01
    bs = jnp.zeros((1,), dtype=jnp.float32)
    bn_gamma = jnp.ones((1,), dtype=jnp.float32)
    bn_beta = jnp.zeros((1,), dtype=jnp.float32)
    Wp1 = jax.random.normal(ks[5], (H, H), dtype=jnp.float32) * 0.05
    bp1 = jnp.zeros((H,), dtype=jnp.float32)
    Wp2 = jax.random.normal(ks[6], (H, 4), dtype=jnp.float32) * 0.05
    bp2 = jnp.zeros((4,), dtype=jnp.float32)
    return {
        'flat_pts': flat_pts, 'batch_idx': batch_idx,
        'W1': W1, 'b1': b1, 'W2': W2, 'b2': b2,
        'Ws': Ws, 'bs': bs, 'bn_gamma': bn_gamma, 'bn_beta': bn_beta,
        'Wp1': Wp1, 'bp1': bp1, 'Wp2': Wp2, 'bp2': bp2,
    }


def reference(flat_pts, batch_idx, W1, b1, W2, b2, Ws, bs, bn_gamma, bn_beta, Wp1, bp1, Wp2, bp2):
    output_size = 4096
    N = flat_pts.shape[0]
    batch_size = 8
    k = min(output_size, N // batch_size)

    # point_mlp
    feat = jax.nn.relu(flat_pts @ W1 + b1)
    feat = jax.nn.relu(feat @ W2 + b2)

    # sampler: Linear(256,1) -> BatchNorm1d(1, training stats) -> ReLU
    s = feat @ Ws + bs  # [N, 1]
    mu = jnp.mean(s, axis=0)
    var = jnp.var(s, axis=0)
    s = (s - mu) / jnp.sqrt(var + 1e-5) * bn_gamma + bn_beta
    point_scores = jax.nn.relu(s)

    weights = jax.nn.softmax(point_scores[:, 0] / 0.1, axis=0)  # global softmax over N

    topk_list = []
    for b in range(batch_size):
        mask = batch_idx == b
        batch_weights = jnp.where(mask, weights, -jnp.inf)
        _, global_indices = jax.lax.top_k(batch_weights, k)
        topk_list.append(global_indices)
    topk_indices = jnp.stack(topk_list)  # [B, k]
    flat_idx = topk_indices.reshape(-1)

    sel_mask = jnp.zeros((N,), dtype=jnp.float32).at[flat_idx].set(1.0)
    selected_weights = weights * sel_mask
    batch_sums = jax.ops.segment_sum(selected_weights, batch_idx, num_segments=batch_size)
    selected_weights = selected_weights / (batch_sums[batch_idx] + 1e-8)

    weighted_points = flat_pts * selected_weights[:, None]
    weighted_features = feat * selected_weights[:, None]
    selected_points = weighted_points[flat_idx].reshape(batch_size, k, -1)  # computed as in torch (unused)
    selected_features = weighted_features[flat_idx].reshape(batch_size, k, -1)

    h = jax.nn.relu(selected_features @ Wp1 + bp1)
    processed = h @ Wp2 + bp2  # [B, k, 4]
    return processed.reshape(batch_size, output_size, 4)

if __name__ == "__main__":
    import jax
    _d = setup_inputs()
    print(jax.jit(kernel)(*tuple(_d.values())))

</pallas_src>

<mosaic_0001>
#map = affine_map<(d0, d1) -> (0, 0)>
#map1 = affine_map<(d0, d1) -> (0)>
module attributes {stable_mosaic.version = 14 : i64} {
  func.func @gk(%arg0: i32, %arg1: i32, %arg2: memref<65536x256xf32, #tpu.memory_space<hbm>>, %arg3: memref<32768xi32, #tpu.memory_space<hbm>>, %arg4: memref<32768x256xf32, #tpu.memory_space<hbm>>, %arg5: memref<128xi32, #tpu.memory_space<vmem>>, %arg6: memref<128x256xf32, #tpu.memory_space<vmem>>, %arg7: memref<!tpu.dma_semaphore, #tpu.memory_space<semaphore_mem>>) attributes {dimension_semantics = [#tpu.dimension_semantics<core_parallel>, #tpu.dimension_semantics<subcore_parallel>], iteration_bounds = array<i64: 2, 16>, scalar_prefetch = 0 : i64, scratch_operands = 3 : i64, tpu.core_type = #tpu.core_type<sc_vector_subcore>, window_params = [{transform_indices = #map}, {transform_indices = #map1}, {transform_indices = #map}]} {
    %mul3A = arith.constant 2 : i32
    %mul3A_0 = arith.muli %arg1, %mul3A : i32
    %add3A = arith.addi %mul3A_0, %arg0 : i32
    %mul3A_1 = arith.constant 1024 : i32
    %mul3A_2 = arith.muli %add3A, %mul3A_1 : i32
    %scan3A = arith.constant 0 : i32
    %scan3A_3 = arith.constant 0 : i32
    %scan3A_4 = arith.constant 8 : i32
    %scan3A_5 = arith.addi %scan3A_3, %scan3A_4 : i32
    %scan3A_6 = arith.constant 1 : i32
    scf.for %scan3A_8 = %scan3A_3 to %scan3A_5 step %scan3A_6  : i32 {
      %mul3A_9 = arith.constant 128 : i32
      %mul3A_10 = arith.muli %scan3A_8, %mul3A_9 : i32
      %add3A_11 = arith.addi %mul3A_2, %mul3A_10 : i32
      "tpu.region"() ({
        %run_scoped3A = tpu.sem_alloc : memref<!tpu.dma_semaphore, #tpu.memory_space<semaphore_mem>>
        %dma_start3A_16 = tpu.memref_slice %arg3[%add3A_11] : memref<32768xi32, #tpu.memory_space<hbm>> -> memref<128xi32, #tpu.memory_space<hbm>>
        %dma_start3A_17 = tpu.memref_slice %arg3[%add3A_11] : memref<32768xi32, #tpu.memory_space<hbm>> -> memref<128xi32, #tpu.memory_space<hbm>>
        tpu.enqueue_dma source(%dma_start3A_17 : memref<128xi32, #tpu.memory_space<hbm>>) target(%arg5 : memref<128xi32, #tpu.memory_space<vmem>>) target_semaphore(%run_scoped3A : memref<!tpu.dma_semaphore, #tpu.memory_space<semaphore_mem>>)
        %dma_wait3A_18 = tpu.memref_slice %arg3[%add3A_11] : memref<32768xi32, #tpu.memory_space<hbm>> -> memref<128xi32, #tpu.memory_space<hbm>>
        %dma_wait3A_19 = tpu.memref_slice %arg3[%add3A_11] : memref<32768xi32, #tpu.memory_space<hbm>> -> memref<128xi32, #tpu.memory_space<hbm>>
        tpu.wait_dma2 semaphore(%run_scoped3A : memref<!tpu.dma_semaphore, #tpu.memory_space<semaphore_mem>>) src(%dma_wait3A_19 : memref<128xi32, #tpu.memory_space<hbm>>) dst(%arg5 : memref<128xi32, #tpu.memory_space<vmem>>)
        tpu.yield
      }) : () -> ()
      %dma_start3A = arith.constant 0 : i32
      %dma_start3A_12 = arith.constant 0 : i32
      %dma_start3A_13 = tpu.memref_slice %arg2[%dma_start3A, %dma_start3A_12] : memref<65536x256xf32, #tpu.memory_space<hbm>> -> memref<65536x256xf32, #tpu.memory_space<hbm>>
      tpu.enqueue_indirect_dma source(%dma_start3A_13 : memref<65536x256xf32, #tpu.memory_space<hbm>>) target(%arg6 : memref<128x256xf32, #tpu.memory_space<vmem>>) offsets(%arg5 : memref<128xi32, #tpu.memory_space<vmem>>) semaphore(%arg7 : memref<!tpu.dma_semaphore, #tpu.memory_space<semaphore_mem>>)
      %dma_wait3A = arith.constant 0 : i32
      %dma_wait3A_14 = arith.constant 0 : i32
      %dma_wait3A_15 = tpu.memref_slice %arg2[%dma_wait3A, %dma_wait3A_14] : memref<65536x256xf32, #tpu.memory_space<hbm>> -> memref<65536x256xf32, #tpu.memory_space<hbm>>
      tpu.wait_indirect_dma semaphore(%arg7 : memref<!tpu.dma_semaphore, #tpu.memory_space<semaphore_mem>>) src(%dma_wait3A_15 : memref<65536x256xf32, #tpu.memory_space<hbm>>) dst(%arg6 : memref<128x256xf32, #tpu.memory_space<vmem>>)
      "tpu.region"() ({
        %run_scoped3A = tpu.sem_alloc : memref<!tpu.dma_semaphore, #tpu.memory_space<semaphore_mem>>
        %dma_start3A_16 = arith.constant 0 : i32
        %dma_start3A_17 = tpu.memref_slice %arg4[%add3A_11, %dma_start3A_16] : memref<32768x256xf32, #tpu.memory_space<hbm>> -> memref<128x256xf32, #tpu.memory_space<hbm>>
        %dma_start3A_18 = arith.constant 0 : i32
        %dma_start3A_19 = tpu.memref_slice %arg4[%add3A_11, %dma_start3A_18] : memref<32768x256xf32, #tpu.memory_space<hbm>> -> memref<128x256xf32, #tpu.memory_space<hbm>>
        tpu.enqueue_dma source(%arg6 : memref<128x256xf32, #tpu.memory_space<vmem>>) target(%dma_start3A_19 : memref<128x256xf32, #tpu.memory_space<hbm>>) target_semaphore(%run_scoped3A : memref<!tpu.dma_semaphore, #tpu.memory_space<semaphore_mem>>)
        %dma_wait3A_20 = arith.constant 0 : i32
        %dma_wait3A_21 = tpu.memref_slice %arg4[%add3A_11, %dma_wait3A_20] : memref<32768x256xf32, #tpu.memory_space<hbm>> -> memref<128x256xf32, #tpu.memory_space<hbm>>
        %dma_wait3A_22 = arith.constant 0 : i32
        %dma_wait3A_23 = tpu.memref_slice %arg4[%add3A_11, %dma_wait3A_22] : memref<32768x256xf32, #tpu.memory_space<hbm>> -> memref<128x256xf32, #tpu.memory_space<hbm>>
        tpu.wait_dma2 semaphore(%run_scoped3A : memref<!tpu.dma_semaphore, #tpu.memory_space<semaphore_mem>>) src(%arg6 : memref<128x256xf32, #tpu.memory_space<vmem>>) dst(%dma_wait3A_23 : memref<128x256xf32, #tpu.memory_space<hbm>>)
        tpu.yield
      }) : () -> ()
    }
    %scan3A_7 = arith.constant 8 : i32
    return
  }
}

module attributes {stable_mosaic.version = 14 : i64} {
  func.func @_encoder_body(%arg0: i32, %arg1: memref<1024x4xf32, #tpu.memory_space<vmem>>, %arg2: memref<4x256xf32, #tpu.memory_space<vmem>>, %arg3: memref<256xf32, #tpu.memory_space<vmem>>, %arg4: memref<256x256xf32, #tpu.memory_space<vmem>>, %arg5: memref<256xf32, #tpu.memory_space<vmem>>, %arg6: memref<256x1xf32, #tpu.memory_space<vmem>>, %arg7: memref<1024x256xf32, #tpu.memory_space<vmem>>, %arg8: memref<1024x1xf32, #tpu.memory_space<vmem>>) attributes {dimension_semantics = [#tpu.dimension_semantics<arbitrary>], iteration_bounds = array<i64: 64>, scalar_prefetch = 0 : i64, scratch_operands = 0 : i64, tpu.core_type = #tpu.core_type<tc>, window_params = [{transform_indices = @transform_0, window_bounds = array<i64: 1024, 4>}, {pipeline_mode = #tpu.pipeline_mode<synchronous>, transform_indices = @transform_1, window_bounds = array<i64: 4, 256>}, {pipeline_mode = #tpu.pipeline_mode<synchronous>, transform_indices = @transform_2, window_bounds = array<i64: 256>}, {pipeline_mode = #tpu.pipeline_mode<synchronous>, transform_indices = @transform_3, window_bounds = array<i64: 256, 256>}, {pipeline_mode = #tpu.pipeline_mode<synchronous>, transform_indices = @transform_4, window_bounds = array<i64: 256>}, {pipeline_mode = #tpu.pipeline_mode<synchronous>, transform_indices = @transform_5, window_bounds = array<i64: 256, 1>}, {transform_indices = @transform_6, window_bounds = array<i64: 1024, 256>}, {transform_indices = @transform_7, window_bounds = array<i64: 1024, 1>}]} {
    %get3A = arith.constant 0 : index
    %get3A_0 = arith.constant 0 : index
    %get3A_1 = vector.load %arg1[%get3A, %get3A_0] : memref<1024x4xf32, #tpu.memory_space<vmem>>, vector<1024x4xf32>
    %get3A_2 = arith.constant 0 : index
    %get3A_3 = arith.constant 0 : index
    %get3A_4 = vector.load %arg2[%get3A_2, %get3A_3] : memref<4x256xf32, #tpu.memory_space<vmem>>, vector<4x256xf32>
    %dot_general3A = arith.constant dense<0.000000e+00> : vector<1024x256xf32>
    %dot_general3A_5 = tpu.matmul %get3A_1, %get3A_4, %dot_general3A {dimension_numbers = #tpu.dot_dimension_numbers<[1], [0], [0], [1], [0, 0, 1, 1], [], []>, transpose_lhs_hint = false} : vector<1024x4xf32>, vector<4x256xf32>, vector<1024x256xf32> -> vector<1024x256xf32>
    %get3A_6 = arith.constant 0 : index
    %get3A_7 = vector.load %arg3[%get3A_6] : memref<256xf32, #tpu.memory_space<vmem>>, vector<256xf32>
    %broadcast_in_dim3A = vector.shape_cast %get3A_7 : vector<256xf32> to vector<1x256xf32>
    %add3A = vector.broadcast %broadcast_in_dim3A : vector<1x256xf32> to vector<1024x256xf32>
    %add3A_8 = arith.addf %dot_general3A_5, %add3A : vector<1024x256xf32>
    %max3A = arith.constant 0.000000e+00 : f32
    %max3A_9 = vector.broadcast %max3A : f32 to vector<1024x256xf32>
    %max3A_10 = arith.maximumf %add3A_8, %max3A_9 : vector<1024x256xf32>
    %get3A_11 = arith.constant 0 : index
    %get3A_12 = arith.constant 0 : index
    %get3A_13 = vector.load %arg4[%get3A_11, %get3A_12] : memref<256x256xf32, #tpu.memory_space<vmem>>, vector<256x256xf32>
    %dot_general3A_14 = arith.constant dense<0.000000e+00> : vector<1024x256xf32>
    %dot_general3A_15 = tpu.matmul %max3A_10, %get3A_13, %dot_general3A_14 {dimension_numbers = #tpu.dot_dimension_numbers<[1], [0], [0], [1], [0, 0, 1, 1], [], []>, transpose_lhs_hint = false} : vector<1024x256xf32>, vector<256x256xf32>, vector<1024x256xf32> -> vector<1024x256xf32>
    %get3A_16 = arith.constant 0 : index
    %get3A_17 = vector.load %arg5[%get3A_16] : memref<256xf32, #tpu.memory_space<vmem>>, vector<256xf32>
    %broadcast_in_dim3A_18 = vector.shape_cast %get3A_17 : vector<256xf32> to vector<1x256xf32>
    %add3A_19 = vector.broadcast %broadcast_in_dim3A_18 : vector<1x256xf32> to vector<1024x256xf32>
    %add3A_20 = arith.addf %dot_general3A_15, %add3A_19 : vector<1024x256xf32>
    %max3A_21 = arith.constant 0.000000e+00 : f32
    %max3A_22 = vector.broadcast %max3A_21 : f32 to vector<1024x256xf32>
    %max3A_23 = arith.maximumf %add3A_20, %max3A_22 : vector<1024x256xf32>
    %swap3A = arith.constant 0 : index
    %swap3A_24 = arith.constant 0 : index
    %swap3A_25 = vector.load %arg7[%swap3A, %swap3A_24] : memref<1024x256xf32, #tpu.memory_space<vmem>>, vector<1024x256xf32>
    tpu.vector_store %arg7[%swap3A, %swap3A_24], %max3A_23 {strides = array<i32>} : memref<1024x256xf32, #tpu.memory_space<vmem>>, vector<1024x256xf32>,
    %get3A_26 = arith.constant 0 : index
    %get3A_27 = arith.constant 0 : index
    %get3A_28 = vector.load %arg6[%get3A_26, %get3A_27] : memref<256x1xf32, #tpu.memory_space<vmem>>, vector<256x1xf32>
    %dot_general3A_29 = arith.constant dense<0.000000e+00> : vector<1024x1xf32>
    %dot_general3A_30 = tpu.matmul %max3A_23, %get3A_28, %dot_general3A_29 {dimension_numbers = #tpu.dot_dimension_numbers<[1], [0], [0], [1], [0, 0, 1, 1], [], []>, transpose_lhs_hint = false} : vector<1024x256xf32>, vector<256x1xf32>, vector<1024x1xf32> -> vector<1024x1xf32>
    %swap3A_31 = arith.constant 0 : index
    %swap3A_32 = arith.constant 0 : index
    %swap3A_33 = vector.load %arg8[%swap3A_31, %swap3A_32] : memref<1024x1xf32, #tpu.memory_space<vmem>>, vector<1024x1xf32>
    tpu.vector_store %arg8[%swap3A_31, %swap3A_32], %dot_general3A_30 {strides = array<i32>} : memref<1024x1xf32, #tpu.memory_space<vmem>>, vector<1024x1xf32>,
    return
  }
  func.func @transform_0(%arg0: i32) -> (i32, i32) {
    %c0_i32 = arith.constant 0 : i32
    %c0_i32_0 = arith.constant 0 : i32
    return %arg0, %c0_i32 : i32, i32
  }
  func.func @transform_1(%arg0: i32) -> (i32, i32) {
    %c0_i32 = arith.constant 0 : i32
    %c0_i32_0 = arith.constant 0 : i32
    %c0_i32_1 = arith.constant 0 : i32
    return %c0_i32, %c0_i32_0 : i32, i32
  }
  func.func @transform_2(%arg0: i32) -> i32 {
    %c0_i32 = arith.constant 0 : i32
    %c0_i32_0 = arith.constant 0 : i32
    return %c0_i32 : i32
  }
  func.func @transform_3(%arg0: i32) -> (i32, i32) {
    %c0_i32 = arith.constant 0 : i32
    %c0_i32_0 = arith.constant 0 : i32
    %c0_i32_1 = arith.constant 0 : i32
    return %c0_i32, %c0_i32_0 : i32, i32
  }
  func.func @transform_4(%arg0: i32) -> i32 {
    %c0_i32 = arith.constant 0 : i32
    %c0_i32_0 = arith.constant 0 : i32
    return %c0_i32 : i32
  }
  func.func @transform_5(%arg0: i32) -> (i32, i32) {
    %c0_i32 = arith.constant 0 : i32
    %c0_i32_0 = arith.constant 0 : i32
    %c0_i32_1 = arith.constant 0 : i32
    return %c0_i32, %c0_i32_0 : i32, i32
  }
  func.func @transform_6(%arg0: i32) -> (i32, i32) {
    %c0_i32 = arith.constant 0 : i32
    %c0_i32_0 = arith.constant 0 : i32
    return %arg0, %c0_i32 : i32, i32
  }
  func.func @transform_7(%arg0: i32) -> (i32, i32) {
    %c0_i32 = arith.constant 0 : i32
    %c0_i32_0 = arith.constant 0 : i32
    return %arg0, %c0_i32 : i32, i32
  }
}

module attributes {stable_mosaic.version = 14 : i64} {
  func.func @_output_body(%arg0: i32, %arg1: memref<1024x256xf32, #tpu.memory_space<vmem>>, %arg2: memref<1024xf32, #tpu.memory_space<vmem>>, %arg3: memref<256x256xf32, #tpu.memory_space<vmem>>, %arg4: memref<256xf32, #tpu.memory_space<vmem>>, %arg5: memref<256x128xf32, #tpu.memory_space<vmem>>, %arg6: memref<1024x128xf32, #tpu.memory_space<vmem>>) attributes {dimension_semantics = [#tpu.dimension_semantics<arbitrary>], iteration_bounds = array<i64: 32>, scalar_prefetch = 0 : i64, scratch_operands = 0 : i64, tpu.core_type = #tpu.core_type<tc>, window_params = [{transform_indices = @transform_0, window_bounds = array<i64: 1024, 256>}, {transform_indices = @transform_1, window_bounds = array<i64: 1024>}, {pipeline_mode = #tpu.pipeline_mode<synchronous>, transform_indices = @transform_2, window_bounds = array<i64: 256, 256>}, {pipeline_mode = #tpu.pipeline_mode<synchronous>, transform_indices = @transform_3, window_bounds = array<i64: 256>}, {pipeline_mode = #tpu.pipeline_mode<synchronous>, transform_indices = @transform_4, window_bounds = array<i64: 256, 128>}, {transform_indices = @transform_5, window_bounds = array<i64: 1024, 128>}]} {
    %get3A = arith.constant 0 : index
    %get3A_0 = arith.constant 0 : index
    %get3A_1 = vector.load %arg1[%get3A, %get3A_0] : memref<1024x256xf32, #tpu.memory_space<vmem>>, vector<1024x256xf32>
    %get3A_2 = arith.constant 0 : index
    %get3A_3 = vector.load %arg2[%get3A_2] : memref<1024xf32, #tpu.memory_space<vmem>>, vector<1024xf32>
    %broadcast_in_dim3A = vector.shape_cast %get3A_3 : vector<1024xf32> to vector<1024x1xf32>
    %mul3A = vector.broadcast %broadcast_in_dim3A : vector<1024x1xf32> to vector<1024x256xf32>
    %mul3A_4 = arith.mulf %get3A_1, %mul3A : vector<1024x256xf32>
    %get3A_5 = arith.constant 0 : index
    %get3A_6 = arith.constant 0 : index
    %get3A_7 = vector.load %arg3[%get3A_5, %get3A_6] : memref<256x256xf32, #tpu.memory_space<vmem>>, vector<256x256xf32>
    %dot_general3A = arith.constant dense<0.000000e+00> : vector<1024x256xf32>
    %dot_general3A_8 = tpu.matmul %mul3A_4, %get3A_7, %dot_general3A {dimension_numbers = #tpu.dot_dimension_numbers<[1], [0], [0], [1], [0, 0, 1, 1], [], []>, transpose_lhs_hint = false} : vector<1024x256xf32>, vector<256x256xf32>, vector<1024x256xf32> -> vector<1024x256xf32>
    %get3A_9 = arith.constant 0 : index
    %get3A_10 = vector.load %arg4[%get3A_9] : memref<256xf32, #tpu.memory_space<vmem>>, vector<256xf32>
    %broadcast_in_dim3A_11 = vector.shape_cast %get3A_10 : vector<256xf32> to vector<1x256xf32>
    %add3A = vector.broadcast %broadcast_in_dim3A_11 : vector<1x256xf32> to vector<1024x256xf32>
    %add3A_12 = arith.addf %dot_general3A_8, %add3A : vector<1024x256xf32>
    %max3A = arith.constant 0.000000e+00 : f32
    %max3A_13 = vector.broadcast %max3A : f32 to vector<1024x256xf32>
    %max3A_14 = arith.maximumf %add3A_12, %max3A_13 : vector<1024x256xf32>
    %get3A_15 = arith.constant 0 : index
    %get3A_16 = arith.constant 0 : index
    %get3A_17 = vector.load %arg5[%get3A_15, %get3A_16] : memref<256x128xf32, #tpu.memory_space<vmem>>, vector<256x128xf32>
    %dot_general3A_18 = arith.constant dense<0.000000e+00> : vector<1024x128xf32>
    %dot_general3A_19 = tpu.matmul %max3A_14, %get3A_17, %dot_general3A_18 {dimension_numbers = #tpu.dot_dimension_numbers<[1], [0], [0], [1], [0, 0, 1, 1], [], []>, transpose_lhs_hint = false} : vector<1024x256xf32>, vector<256x128xf32>, vector<1024x128xf32> -> vector<1024x128xf32>
    %swap3A = arith.constant 0 : index
    %swap3A_20 = arith.constant 0 : index
    %swap3A_21 = vector.load %arg6[%swap3A, %swap3A_20] : memref<1024x128xf32, #tpu.memory_space<vmem>>, vector<1024x128xf32>
    tpu.vector_store %arg6[%swap3A, %swap3A_20], %dot_general3A_19 {strides = array<i32>} : memref<1024x128xf32, #tpu.memory_space<vmem>>, vector<1024x128xf32>,
    return
  }
  func.func @transform_0(%arg0: i32) -> (i32, i32) {
    %c0_i32 = arith.constant 0 : i32
    %c0_i32_0 = arith.constant 0 : i32
    return %arg0, %c0_i32 : i32, i32
  }
  func.func @transform_1(%arg0: i32) -> i32 {
    %c0_i32 = arith.constant 0 : i32
    return %arg0 : i32
  }
  func.func @transform_2(%arg0: i32) -> (i32, i32) {
    %c0_i32 = arith.constant 0 : i32
    %c0_i32_0 = arith.constant 0 : i32
    %c0_i32_1 = arith.constant 0 : i32
    return %c0_i32, %c0_i32_0 : i32, i32
  }
  func.func @transform_3(%arg0: i32) -> i32 {
    %c0_i32 = arith.constant 0 : i32
    %c0_i32_0 = arith.constant 0 : i32
    return %c0_i32 : i32
  }
  func.func @transform_4(%arg0: i32) -> (i32, i32) {
    %c0_i32 = arith.constant 0 : i32
    %c0_i32_0 = arith.constant 0 : i32
    %c0_i32_1 = arith.constant 0 : i32
    return %c0_i32, %c0_i32_0 : i32, i32
  }
  func.func @transform_5(%arg0: i32) -> (i32, i32) {
    %c0_i32 = arith.constant 0 : i32
    %c0_i32_0 = arith.constant 0 : i32
    return %arg0, %c0_i32 : i32, i32
  }
}

</mosaic_0001>

<sc_bundles>
// kernel: kernel.5.cloned.1.call-start
scs
__scs_entry_jumppad:
0x0: {  	(pc) =	sbr.rel $0x88, $3  }
0x1: {  	(tag) =	ssettag $0x0;
	lr =	simm.s32 $0x1  }
0x2: {  	[smem:$0x3F93] =	sst lr;
	_ =	strace $0xD0000000  }
0x3: {  	_ = 	snop  }
0x4: {  	_ = 	snop  }
0x5: {  	_ = 	snop  }
0x6: {  	_ = 	snop  }
0x7: {  	_ = 	snop  }
__scs_overlays_trampoline_lowered:
0x8: {  	[smem:$0x3FA2] =	sst s0  }
0x9: {  	[smem:$0x3FA3] =	sst s1  }
0xa: {  	[smem:$0x3FA4] =	sst s2  }
0xb: {  	[smem:$0x3FA5] =	sst s3  }
0xc: {  	[smem:$0x3FA6] =	sst s4  }
0xd: {  	[smem:$0x3FA7] =	sst s5  }
0xe: {  	[smem:$0x3FA8] =	sst s6  }
0xf: {  	[smem:$0x3FA9] =	sst s7  }
0x10: {  	[smem:$0x3FAA] =	sst s8  }
0x11: {  	[smem:$0x3FAB] =	sst s9;
	s0 =	simm.s32 @!p0 $0x0  }
0x12: {  	s1 =	sld [smem:$0x3F91];
	s0 =	simm.s32 @p0 $0x1  }
0x13: {  	[smem:$0x3FAC] =	sst s0;
	s0 =	simm.s32 @!p1 $0x0  }
0x14: {  	s2 =	sld [smem:$0x3F90];
	s0 =	simm.s32 @p1 $0x1  }
0x15: {  	[smem:$0x3FAD] =	sst s0;
	s0 =	simm.s32 @!p2 $0x0  }
0x16: {  	s3 =	sld [smem:$0x3FDB];
	s0 =	simm.s32 @p2 $0x1  }
0x17: {  	s4 =	simm.s32 $0x1BF5;
	[smem:$0x3FAF] =	sst s0  }
0x18: {  	s0 =	sld [smem:$0x3F92];
	_ =	swait.ge [sflag:s4], $0x0  }
0x19: {  	s7 =	sld [smem:$0x3F93]  }
0x1a: {  	s8 =	sadd.s32 $0xFFFFE003, lr  }
0x1b: {  	s9 =	sadd.s32 $0xFFFFFEF7, lr;
	s5 =	simm.s32 $0xFFFFFFFF;
	p2 =	slt.u32 s8, $0xFFFFF086  }
0x1c: {  	p1 =	slt.u32 s9, $0xF7A;
	s5 =	simm.s32 @!p2 $0x0  }
0x1d: {  	s5 =	simm.s32 @p1 $0x1;
	p0 =	seq.s32 s7, s2  }
0x1e: {  	s7 =	smul.u32 @!p0 $0xF7A, s2;
	p2 =	seq.s32 @!p0 s5, $0x0  }
0x1f: {  	s9 =	smul.u32 $0xF7A, s1;
	s8 =	simm.s32 @!p0 $0x1BF5;
	p2 =	por !p2, p0  }
0x20: {  	[sflag:s8] =	ssyncset.s32 @!p0 $0xFFFFF086;
	s6 =	sadd.s32 @!p0 s3, s7;
	s7 =	simm.s32 @!p0 $0x108  }
0x21: {  	s3 =	sadd.s32 s3, s9;
	s6 =	sadd.s32 @!p0 $0x88, s6;
	s7 =	simm.s32 @p2 $0x1082  }
0x22: {  	[simem:s7], [sflag:s8] =	dma.local @!p0 [hbm:s6], $0xF7A  }
0x23: {  	s9 =	sor.u32 $0xD0000000, s2;
	s6 =	simm.s32 $0x108;
	_ =	swait.ge @!p0 [sflag:s8], $0x0  }
0x24: {  	s3 =	sadd.s32 $0x88, s3;
	s6 =	simm.s32 @!p1 $0x1082;
	[sflag:s4] =	ssyncset.s32 $0xFFFFF086  }
0x25: {  	[simem:s6], [sflag:s4] =	dma.local [hbm:s3], $0xF7A  }
0x26: {  	[smem:$0x3F93] =	sst s1;
	(tag) =	ssettag s2;
	_ =	strace s9  }
0x27: {  	s1 =	sld [smem:$0x3FA3]  }
0x28: {  	s2 =	sld [smem:$0x3FA4]  }
0x29: {  	s4 =	sld [smem:$0x3FA6]  }
0x2a: {  	p0 =	seq.s32 s5, $0x0;
	s5 =	sld [smem:$0x3FA7]  }
0x2b: {  	s6 =	sld [smem:$0x3FA8]  }
0x2c: {  	s7 =	sld [smem:$0x3FA9]  }
0x2d: {  	s3 =	simm.s32 $0x108;
	s8 =	sld [smem:$0x3FAA]  }
0x2e: {  	s3 =	simm.s32 @!p0 $0x1082;
	s9 =	sld [smem:$0x3FAB]  }
0x2f: {  	lr =	sadd.s32 s0, s3;
	s0 =	sld [smem:$0x3FA2]  }
0x30: {  	s3 =	sld [smem:$0x3FA5]  }
0x31: {  	[smem:$0x3FAE] =	sst s10  }
0x32: {  	s10 =	sld [smem:$0x3FAC];
	_ =	sdelay $0x3  }
0x33: {  	p0 =	seq.s32 s10, $0x1;
	s10 =	sld [smem:$0x3FAE];
	_ =	sdelay $0x3  }
0x34: {  	[smem:$0x3FAE] =	sst s10  }
0x35: {  	s10 =	sld [smem:$0x3FAD];
	_ =	sdelay $0x3  }
0x36: {  	p1 =	seq.s32 s10, $0x1;
	s10 =	sld [smem:$0x3FAE];
	_ =	sdelay $0x3  }
0x37: {  	[smem:$0x3FAE] =	sst s10  }
0x38: {  	s10 =	sld [smem:$0x3FAF]  }
0x39: {  	_ = 	snop;
	(pc) =	sbr.ind lr, $3  }
0x3a: {  	_ = 	snop  }
0x3b: {  	_ = 	snop  }
0x3c: {  	p2 =	seq.s32 s10, $0x1;
	s10 =	sld [smem:$0x3FAE]  }
0x3d: {  	_ =	shalt  }
0x3e: {  	_ =	shalt  }
0x3f: {  	_ =	shalt  }
0x40: {  	_ =	shalt  }
0x41: {  	_ =	shalt  }
0x42: {  	_ =	shalt  }
0x43: {  	_ =	shalt  }
0x44: {  	_ =	shalt  }
0x45: {  	_ =	shalt  }
0x46: {  	_ =	shalt  }
0x47: {  	_ =	shalt  }
0x48: {  	_ =	shalt  }
0x49: {  	_ =	shalt  }
0x4a: {  	_ =	shalt  }
0x4b: {  	_ =	shalt  }
0x4c: {  	_ =	shalt  }
0x4d: {  	_ =	shalt  }
0x4e: {  	_ =	shalt  }
0x4f: {  	_ =	shalt  }
0x50: {  	_ =	shalt  }
0x51: {  	_ =	shalt  }
0x52: {  	_ =	shalt  }
0x53: {  	_ =	shalt  }
0x54: {  	_ =	shalt  }
0x55: {  	_ =	shalt  }
0x56: {  	_ =	shalt  }
0x57: {  	_ =	shalt  }
0x58: {  	_ =	shalt  }
0x59: {  	_ =	shalt  }
0x5a: {  	_ =	shalt  }
0x5b: {  	_ =	shalt  }
0x5c: {  	_ =	shalt  }
0x5d: {  	_ =	shalt  }
0x5e: {  	_ =	shalt  }
0x5f: {  	_ =	shalt  }
0x60: {  	_ =	shalt  }
0x61: {  	_ =	shalt  }
0x62: {  	_ =	shalt  }
0x63: {  	_ =	shalt  }
0x64: {  	_ =	shalt  }
0x65: {  	_ =	shalt  }
0x66: {  	_ =	shalt  }
0x67: {  	_ =	shalt  }
0x68: {  	_ =	shalt  }
0x69: {  	_ =	shalt  }
0x6a: {  	_ =	shalt  }
0x6b: {  	_ =	shalt  }
0x6c: {  	_ =	shalt  }
0x6d: {  	_ =	shalt  }
0x6e: {  	_ =	shalt  }
0x6f: {  	_ =	shalt  }
0x70: {  	_ =	shalt  }
0x71: {  	_ =	shalt  }
0x72: {  	_ =	shalt  }
0x73: {  	_ =	shalt  }
0x74: {  	_ =	shalt  }
0x75: {  	_ =	shalt  }
0x76: {  	_ =	shalt  }
0x77: {  	_ =	shalt  }
0x78: {  	_ =	shalt  }
0x79: {  	_ =	shalt  }
0x7a: {  	_ =	shalt  }
0x7b: {  	_ =	shalt  }
0x7c: {  	_ =	shalt  }
0x7d: {  	_ =	shalt  }
0x7e: {  	_ =	shalt  }
0x7f: {  	_ =	shalt  }
0x80: {  	_ =	shalt  }
0x81: {  	_ =	shalt  }
0x82: {  	_ =	shalt  }
0x83: {  	_ =	shalt  }
0x84: {  	_ =	shalt  }
0x85: {  	_ =	shalt  }
0x86: {  	_ =	shalt  }
0x87: {  	_ =	shalt  }
.Lfunc_end0:
.L_simem_size_0:
called_computation_lowered:
.L_overlay_start_0:
0x88: {  	s2 =	sld [smem:$0x3FD9]  }
0x89: {  	s3 =	sld [smem:$0x3FFE];
	_ =	sdelay $0x1  }
0x8a: {  	s1 =	srdreg.scid  }
0x8b: {  	s0 =	sand.u32 $0x1, s1  }
0x8c: {  	s17 =	sshll.u32 s0, $0xA;
	s2 =	sadd.s32 s3, s2  }
0x8d: {  	s2 =	sadd.s32 s2, s17  }
0x8e: {  	[smem:$0x3FBA] =	sst s2  }
0x8f: {  	_ = 	snop  }
0x90: {  	s2 =	sld [smem:$0x3FD0];
	(tm) =	ssettm $0x1  }
0x91: {  	s18 =	sld [smem:$0x3FFB];
	_ =	sdelay $0x3  }
0x92: {  	_ =	strace s18  }
0x93: {  	s3 =	sld [smem:$0x3FFC];
	_ =	sdelay $0x3  }
0x94: {  	_ =	strace s3  }
0x95: {  	s3 =	sld [smem:$0x3FFD];
	_ =	sdelay $0x3  }
0x96: {  	_ =	strace s3  }
0x97: {  	_ =	strace $0x8FFFFFFF  }
0x98: {  	s19 =	sld [smem:$0x3FDB];
	_ =	sdelay $0x1  }
0x99: {  	s4 =	simm.s32 $_scs_section_size  }
0x9a: {  	s5 =	simm.s32 $_size__tile_overlayer_lowered;
	s6 =	simm.s32 $_tile_overlayer_lowered  }
0x9b: {  	s22 =	simm.s32 $0x1BFF;
	s21 =	sshll.u32 s6, $0x1;
	s3 =	sadd.s32 s4, s19  }
0x9c: {  	s7 =	simm.s32 $0x0;
	s20 =	sshll.u32 s5, $0x1;
	s5 =	sadd.s32 s21, s3  }
0x9d: {  	[timem:s7], [sflag:s22] =	dma.local [hbm:s5], s20  }
0x9e: {  	_ =	swait.ge [sflag:s22], s20  }
0x9f: {  	s4 =	ssub.s32 $0x0, s20;
	[sflag:s22] =	ssyncset.done $0x0  }
0xa0: {  	[sflag:s22] =	ssyncadd.s32 s4;
	_ =	sdelay $0x1  }
0xa1: {  	s23 =	simm.s32 $0x1B8B  }
0xa2: {  	_ =	swait.ge [sflag:s23], $0x1  }
0xa3: {  	[sflag:s23] =	ssyncset.done $0x0  }
0xa4: {  	s25 =	simm.s32 $0x1B8E;
	s24 =	sld [smem:$0x3FFE];
	[sflag:s23] =	ssyncadd.s32 $0xFFFFFFFF  }
0xa5: {  	s26 =	simm.s32 $execute0_lowered;
	[smem:$0x3FD2] =	sst s25  }
0xa6: {  	s5 =	sshll.u32 s26, $0x1;
	_ =	strace $0x80000046;
	[dreg:$0x1] =	wrdreg $0xFFFFFFFF  }
0xa7: {  	s28 =	simm.s32 $_size_execute0_lowered;
	s3 =	sadd.s32 s3, s5;
	[dreg:$0x0] =	wrdreg $0x0  }
0xa8: {  	s5 =	sshll.u32 s28, $0x1;
	[dreg:$0x2] =	wrdreg s3  }
0xa9: {  	[dreg:$0x3] =	wrdreg s5  }
0xaa: {  	[dreg:$0x4] =	wrdreg $0xC0  }
0xab: {  	_ =	task [dreg:s7], $0x5FFFF  }
0xac: {  	[dreg:$0x1] =	wrdreg $0xFFFFFFFF  }
0xad: {  	[dreg:$0x0] =	wrdreg $0x60  }
0xae: {  	[dreg:$0x2] =	wrdreg s24  }
0xaf: {  	[dreg:$0x3] =	wrdreg s2  }
0xb0: {  	[dreg:$0x4] =	wrdreg $0x9  }
0xb1: {  	_ =	task.clear_ibuf [dreg:s7], $0x5FFFF;
	_ =	strace $0x90000046  }
0xb2: {  	s29 =	simm.s32 $0x9;
	_ =	strace $0x80000048  }
0xb3: {  	_ =	swait.ge [sflag:s29], $0x1  }
0xb4: {  	[sflag:s29] =	ssyncadd.s32 $0xFFFFFFFF  }
0xb5: {  	_ =	strace $0x90000048  }
0xb6: {  	_ =	sfence  }
0xb7: {  	s30 =	sld [smem:$0x0];
	_ =	sdelay $0x2  }
0xb8: {  	s31 =	sshll.u32 s1, $0xD;
	s1 =	sshrl.u32 s1, $0x2  }
0xb9: {  	s3 =	sand.u32 $0x4000, s31;
	s1 =	sadd.s32 s1, s30  }
0xba: {  	s0 =	sor.u32 s3, s0;
	s1 =	sshll.u32 s1, $0x11  }
0xbb: {  	s0 =	sor.u32 s1, s0  }
0xbc: {  	s0 =	sadd.s32 $0x8F2B, s0  }
0xbd: {  	[sflag:s0] =	ssyncadd.remote.s32 $0x1  }
0xbe: {  	_ =	sfence.sel $0xFFFF  }
0xbf: {  	[dreg:$0x0] =	wrdreg $0xFFFFFFFF;
	(pc) =	sbr.abs _section_cstart, $3  }
0xc0: {  	[dreg:$0x1] =	wrdreg $0xFFFFFFFF  }
0xc1: {  	_ =	task.clear_ibuf [dreg:s7], $0x2FFFF;
	_ =	strace $0x9FFFFFFF  }
0xc2: {  	(tm) =	ssettm $0x7FFFFFFF  }
0xc3: {  	_ =	shalt  }
tec
execute0_lowered:
.L_overlay_start_1:
0x0: {  	(tag) =	ssettag $0x1  }
0x1: {  	s5 =	rddreg [dreg:$0x0]  }
0x2: {  	s6 =	rddreg [dreg:$0x1]  }
0x3: {  	s0 =	rddreg [dreg:$0x2]  }
0x4: {  	s1 =	simm.s32 $0x0;
	s2 =	srdreg.scid;
	s11 =	simm.s32 $0x1880  }
0x5: {  	s12 =	simm.s32 $0x2080;
	s13 =	simm.s32 $0x2880;
	s14 =	simm.s32 $0x3080  }
0x6: {  	s15 =	simm.s32 $0x3880;
	s16 =	simm.s32 $0x4080;
	s17 =	simm.s32 $0x4880  }
0x7: {  	s18 =	simm.s32 $0x5080;
	s19 =	simm.s32 $0x5880;
	s20 =	simm.s32 $0x6080  }
0x8: {  	s21 =	simm.s32 $0x6880;
	s22 =	simm.s32 $0x7080;
	s23 =	simm.s32 $0x7880  }
0x9: {  	s24 =	simm.s32 $0x1;
	s25 =	simm.s32 $0x0;
	[smem:$0x7FF] =	sst s1  }
0xa: {  	s7 =	sand.u32 $0x1, s2;
	s3 =	sadd.s32 $0x200400, s5;
	s2 =	stileid.u32  }
0xb: {  	_ =	strace $0x80000047;
	s4 =	ssub.s32 $0x2, s7;
	s31 =	sshll.u32 s2, $0xB  }
0xc: {  	s9 =	sshll.u32 s7, $0xA;
	s10 =	sshll.u32 s2, $0x10;
	s7 =	sshll.u32 s7, $0xF  }
0xd: {  	s8 =	sshrl.u32 s4, $0x1;
	s5 =	sadd.s32 s10, s5;
	s10 =	simm.s32 $0x1080  }
0xe: {  	v2 =	vlaneseq.u32;
	s4 =	ssub.s32 s4, s8;
	s8 =	sor.u32 s9, s31;
	s5 =	sadd.s32 s7, s5  }
0xf: {  	vm0 =	vmmov $0xffff;
	v1 =	vshrl.u32 v2, $0x3;
	s7 =	simm.s32 $0x2;
	s9 =	simm.s32 $0x880;
	s8 =	sshrl.u32 s8, $0x3  }
0x10: {  	v0 =	vand.u32 $0x7, v2;
	v2 =	vor.u32 $0x8, v2;
	v1 =	vmul.u32 $0x8, v1;
	s4 =	smax.u32 s4, $0x1;
	s6 =	sadd.s32 s8, s6;
	s8 =	simm.s32 $0x80  }
.LBB2_1:
0x11: {  	s26 =	smov.u32 s5;
	s28 =	simm.s32 $0x0  }
.LBB2_2:
0x12: {  	s29 =	sadd.s32 s28, s6  }
0x13: {  	[tilespmem:s1], [sflag:$0x2] =	stream.linear.gather [hbm4b:s29+s1], $0x80, $0x38;
	[tilespmem:$0x8080] =	vst v63  }
0x14: {  	_ =	swait.ge [sflag:s7], $0x80  }
0x15: {  	[sflag:s7] =	ssyncset.done $0x0  }
0x16: {  	[sflag:s7] =	ssyncadd.s32 $0xFFFFFF80  }
0x17: {  	v3 =	vld [tilespmem:$0x0];
	_ =	sdelay $0x4  }
0x18: {  	v4 =	vshll.u32 v3, $0x1  }
0x19: {  	v3 =	vand.u32 $0x7, v3;
	v4 =	vand.u32 $0xFFFFFFF0, v4  }
0x1a: {  	v3 =	vor.u32 v3, v4  }
0x1b: {  	v4 =	vperm.xlane v3, v0;
	_ =	sdelay $0x1  }
0x1c: {  	v3 =	vperm.xlane v3, v2;
	v4 =	vadd.s32 v1, v4;
	_ =	sdelay $0x1  }
0x1d: {  	v3 =	vadd.s32 v1, v3;
	_ =	sdelay $0x2  }
0x1e: {  	[tilespmem:s8], [sflag:$0x1] =	stream.indirect_vreg.gather [hbm4b:s3+s1], $0x80, v4, vm0, $0xb8;
	[tilespmem:$0x8080] =	vst v63  }
0x1f: {  	_ = 	snop  }
0x20: {  	[tilespmem:s9], [sflag:$0x1] =	stream.indirect_vreg.gather [hbm4b:s3+s1], $0x80, v3, vm0, $0xb8;
	[tilespmem:$0x8080] =	vst v63  }
0x21: {  	v3 =	vld [tilespmem:$0x10];
	_ =	sdelay $0x4  }
0x22: {  	v57 =	vshll.u32 v3, $0x1  }
0x23: {  	v3 =	vand.u32 $0x7, v3;
	v4 =	vand.u32 $0xFFFFFFF0, v57  }
0x24: {  	v3 =	vor.u32 v3, v4  }
0x25: {  	v4 =	vperm.xlane v3, v0;
	_ =	sdelay $0x1  }
0x26: {  	v3 =	vperm.xlane v3, v2;
	v4 =	vadd.s32 v1, v4;
	_ =	sdelay $0x1  }
0x27: {  	v3 =	vadd.s32 v1, v3;
	_ =	sdelay $0x2  }
0x28: {  	[tilespmem:s10], [sflag:$0x1] =	stream.indirect_vreg.gather [hbm4b:s3+s1], $0x80, v4, vm0, $0xb8;
	[tilespmem:$0x8080] =	vst v63  }
0x29: {  	_ = 	snop  }
0x2a: {  	[tilespmem:s11], [sflag:$0x1] =	stream.indirect_vreg.gather [hbm4b:s3+s1], $0x80, v3, vm0, $0xb8;
	[tilespmem:$0x8080] =	vst v63  }
0x2b: {  	v3 =	vld [tilespmem:$0x20];
	_ =	sdelay $0x4  }
0x2c: {  	v58 =	vshll.u32 v3, $0x1  }
0x2d: {  	v3 =	vand.u32 $0x7, v3;
	v4 =	vand.u32 $0xFFFFFFF0, v58  }
0x2e: {  	v3 =	vor.u32 v3, v4  }
0x2f: {  	v4 =	vperm.xlane v3, v0;
	_ =	sdelay $0x1  }
0x30: {  	v3 =	vperm.xlane v3, v2;
	v4 =	vadd.s32 v1, v4;
	_ =	sdelay $0x1  }
0x31: {  	v3 =	vadd.s32 v1, v3;
	_ =	sdelay $0x2  }
0x32: {  	[tilespmem:s12], [sflag:$0x1] =	stream.indirect_vreg.gather [hbm4b:s3+s1], $0x80, v4, vm0, $0xb8;
	[tilespmem:$0x8080] =	vst v63  }
0x33: {  	_ = 	snop  }
0x34: {  	[tilespmem:s13], [sflag:$0x1] =	stream.indirect_vreg.gather [hbm4b:s3+s1], $0x80, v3, vm0, $0xb8;
	[tilespmem:$0x8080] =	vst v63  }
0x35: {  	v3 =	vld [tilespmem:$0x30];
	_ =	sdelay $0x4  }
0x36: {  	v59 =	vshll.u32 v3, $0x1  }
0x37: {  	v3 =	vand.u32 $0x7, v3;
	v4 =	vand.u32 $0xFFFFFFF0, v59  }
0x38: {  	v3 =	vor.u32 v3, v4  }
0x39: {  	v4 =	vperm.xlane v3, v0;
	_ =	sdelay $0x1  }
0x3a: {  	v3 =	vperm.xlane v3, v2;
	v4 =	vadd.s32 v1, v4;
	_ =	sdelay $0x1  }
0x3b: {  	v3 =	vadd.s32 v1, v3;
	_ =	sdelay $0x2  }
0x3c: {  	[tilespmem:s14], [sflag:$0x1] =	stream.indirect_vreg.gather [hbm4b:s3+s1], $0x80, v4, vm0, $0xb8;
	[tilespmem:$0x8080] =	vst v63  }
0x3d: {  	_ = 	snop  }
0x3e: {  	[tilespmem:s15], [sflag:$0x1] =	stream.indirect_vreg.gather [hbm4b:s3+s1], $0x80, v3, vm0, $0xb8;
	[tilespmem:$0x8080] =	vst v63  }
0x3f: {  	v3 =	vld [tilespmem:$0x40];
	_ =	sdelay $0x4  }
0x40: {  	v60 =	vshll.u32 v3, $0x1  }
0x41: {  	v3 =	vand.u32 $0x7, v3;
	v4 =	vand.u32 $0xFFFFFFF0, v60  }
0x42: {  	v3 =	vor.u32 v3, v4  }
0x43: {  	v4 =	vperm.xlane v3, v0;
	_ =	sdelay $0x1  }
0x44: {  	v3 =	vperm.xlane v3, v2;
	v4 =	vadd.s32 v1, v4;
	_ =	sdelay $0x1  }
0x45: {  	v3 =	vadd.s32 v1, v3;
	_ =	sdelay $0x2  }
0x46: {  	[tilespmem:s16], [sflag:$0x1] =	stream.indirect_vreg.gather [hbm4b:s3+s1], $0x80, v4, vm0, $0xb8;
	[tilespmem:$0x8080] =	vst v63  }
0x47: {  	_ = 	snop  }
0x48: {  	[tilespmem:s17], [sflag:$0x1] =	stream.indirect_vreg.gather [hbm4b:s3+s1], $0x80, v3, vm0, $0xb8;
	[tilespmem:$0x8080] =	vst v63  }
0x49: {  	v3 =	vld [tilespmem:$0x50];
	_ =	sdelay $0x4  }
0x4a: {  	v61 =	vshll.u32 v3, $0x1  }
0x4b: {  	v3 =	vand.u32 $0x7, v3;
	v4 =	vand.u32 $0xFFFFFFF0, v61  }
0x4c: {  	v3 =	vor.u32 v3, v4  }
0x4d: {  	v4 =	vperm.xlane v3, v0;
	_ =	sdelay $0x1  }
0x4e: {  	v3 =	vperm.xlane v3, v2;
	v4 =	vadd.s32 v1, v4;
	_ =	sdelay $0x1  }
0x4f: {  	v3 =	vadd.s32 v1, v3;
	_ =	sdelay $0x2  }
0x50: {  	[tilespmem:s18], [sflag:$0x1] =	stream.indirect_vreg.gather [hbm4b:s3+s1], $0x80, v4, vm0, $0xb8;
	[tilespmem:$0x8080] =	vst v63  }
0x51: {  	_ = 	snop  }
0x52: {  	[tilespmem:s19], [sflag:$0x1] =	stream.indirect_vreg.gather [hbm4b:s3+s1], $0x80, v3, vm0, $0xb8;
	[tilespmem:$0x8080] =	vst v63  }
0x53: {  	v3 =	vld [tilespmem:$0x60];
	_ =	sdelay $0x4  }
0x54: {  	v62 =	vshll.u32 v3, $0x1  }
0x55: {  	v3 =	vand.u32 $0x7, v3;
	v4 =	vand.u32 $0xFFFFFFF0, v62  }
0x56: {  	v3 =	vor.u32 v3, v4  }
0x57: {  	v4 =	vperm.xlane v3, v0;
	_ =	sdelay $0x1  }
0x58: {  	v3 =	vperm.xlane v3, v2;
	v4 =	vadd.s32 v1, v4;
	_ =	sdelay $0x1  }
0x59: {  	v3 =	vadd.s32 v1, v3;
	_ =	sdelay $0x2  }
0x5a: {  	[tilespmem:s20], [sflag:$0x1] =	stream.indirect_vreg.gather [hbm4b:s3+s1], $0x80, v4, vm0, $0xb8;
	[tilespmem:$0x8080] =	vst v63  }
0x5b: {  	_ = 	snop  }
0x5c: {  	[tilespmem:s21], [sflag:$0x1] =	stream.indirect_vreg.gather [hbm4b:s3+s1], $0x80, v3, vm0, $0xb8;
	[tilespmem:$0x8080] =	vst v63  }
0x5d: {  	v3 =	vld [tilespmem:$0x70];
	_ =	sdelay $0x4  }
0x5e: {  	v63 =	vshll.u32 v3, $0x1  }
0x5f: {  	v3 =	vand.u32 $0x7, v3;
	v4 =	vand.u32 $0xFFFFFFF0, v63  }
0x60: {  	v3 =	vor.u32 v3, v4  }
0x61: {  	v4 =	vperm.xlane v3, v0;
	_ =	sdelay $0x1  }
0x62: {  	v3 =	vperm.xlane v3, v2;
	v4 =	vadd.s32 v1, v4;
	_ =	sdelay $0x1  }
0x63: {  	v3 =	vadd.s32 v1, v3;
	_ =	sdelay $0x2  }
0x64: {  	[tilespmem:s22], [sflag:$0x1] =	stream.indirect_vreg.gather [hbm4b:s3+s1], $0x80, v4, vm0, $0xb8;
	[tilespmem:$0x8080] =	vst v63  }
0x65: {  	_ = 	snop  }
0x66: {  	[tilespmem:s23], [sflag:$0x1] =	stream.indirect_vreg.gather [hbm4b:s3+s1], $0x80, v3, vm0, $0xb8;
	[tilespmem:$0x8080] =	vst v63  }
0x67: {  	_ =	swait.ge [sflag:s24], $0x8000  }
0x68: {  	p0 =	sne.s32 s28, $0x70;
	[sflag:s24] =	ssyncset.done $0x0  }
.Ltmp0:
0x69: {  	[sflag:s24] =	ssyncadd.s32 $0xFFFF8000;
	(pc) =	sbr.rel @p0 .LBB2_2-.Ltmp0, $4  }
0x6a: {  	[hbm4b:s26+s1] =	stream.linear.scatter [tilespmem:s8], [sflag:$0x2], $0x8000, $0x38;
	[tilespmem:$0x8080] =	vst v63  }
0x6b: {  	_ =	swait.ge [sflag:s7], $0x8000  }
0x6c: {  	[sflag:s7] =	ssyncset.done $0x0  }
0x6d: {  	s28 =	sadd.s32 $0x10, s28;
	s26 =	sadd.s32 $0x1000, s26;
	[sflag:s7] =	ssyncadd.s32 $0xFFFF8000  }
0x6e: {  	s25 =	sadd.s32 $0x1, s25  }
0x6f: {  	p0 =	sne.s32 s25, s4  }
.Ltmp1:
0x70: {  	_ = 	snop;
	(pc) =	sbr.rel @p0 .LBB2_1-.Ltmp1, $1  }
0x71: {  	_ =	sdelay $0x3  }
0x72: {  	_ =	sfence.sel $0x180000  }
0x73: {  	[bflag:$0x0] =	sbarrier.arrive $0xFFFF  }
0x74: {  	p0 =	sne.s32 s2, $0x0;
	_ =	strace $0x90000047  }
0x75: {  	s0 =	sadd.s32 @!p0 $0x100000, s0;
	[bflag:$0x2] =	sbarrier.arrive $0xFFFF  }
0x76: {  	[sflag:s0] =	ssyncadd.tile.s32 @!p0 $0x1;
	_ =	shalt  }
.Lfunc_end2:
_tile_overlayer_lowered:
.L_overlay_start_2:
0x77: {  	(tag) =	ssettag $0x2  }
0x78: {  	s0 =	rddreg [dreg:$0x0];
	s2 =	stileid.u32  }
0x79: {  	s1 =	rddreg [dreg:$0x1];
	p0 =	sne.s32 s2, $0x0  }
0x7a: {  	s3 =	rddreg [dreg:$0x2];
	[bflag:$0x3] =	sbarrier.arrive $0xFFFF;
	s2 =	simm.s32 @!p0 $0x1C02  }
0x7b: {  	[timem:s3], [sflag:s2] =	dma.local @!p0 [hbm:s0], s1  }
0x7c: {  	s0 =	simm.s32 @!p0 $0x2  }
0x7d: {  	_ =	swait.ge @!p0 [sflag:s0], s1  }
0x7e: {  	s1 =	ssub.s32 @!p0 $0x0, s1;
	[sflag:s0] =	ssyncset.done @!p0 $0x0  }
0x7f: {  	[sflag:s0] =	ssyncadd.s32 @!p0 s1  }
0x80: {  	[bflag:$0x3] =	sbarrier.arrive $0xFFFF  }
0x81: {  	_ =	shalt  }

</sc_bundles>
